<compile_context>
chip_gen: v7x
topology: tpu7x:2x2x1
jax: 0.10.2.dev20260603
libtpu: 0.0.44.dev20260713+nightly
codegen_flags: <defaults>
</compile_context>

<pallas_src>
import functools

import jax
import jax.numpy as jnp
from jax import lax
from jax.experimental import pallas as pl
from jax.experimental.pallas import tpu as pltpu
from jax.experimental.pallas import tpu_sc as plsc

HUMAN_EXHALATION_FLOW = 0.0052
TIME_STEP = 1.0

NC = 2
NS = 16
NW = NC * NS
LANES = 16

B = 128000


def _conv_body(fa_ref, ft_ref, w_ref, b_ref, out_ref):
    pm = lax.dot_general(
        w_ref[...], fa_ref[...], (((1,), (0,)), ((), ())),
        preferred_element_type=jnp.float32)
    pt = lax.dot_general(
        w_ref[...], ft_ref[...], (((1,), (0,)), ((), ())),
        preferred_element_type=jnp.float32)
    p = jnp.concatenate([pm, pt], axis=1)
    v = p[0:1, 0:B] + p[1:2, 1:B + 1] + p[2:3, 2:B + 2]
    out_ref[...] = v + b_ref[...]


def _conv_vals(flowT, wk, b2, E):
    nb = E // B
    out = pl.pallas_call(
        _conv_body,
        grid=(nb,),
        in_specs=[
            pl.BlockSpec((12, B), lambda i: (0, i)),
            pl.BlockSpec((12, 128), lambda i: (0, (i + 1) * (B // 128))),
            pl.BlockSpec((3, 12), lambda i: (0, 0)),
            pl.BlockSpec((1, 1), lambda i: (0, 0)),
        ],
        out_specs=pl.BlockSpec((1, B), lambda i: (0, i)),
        out_shape=jax.ShapeDtypeStruct((1, E), jnp.float32),
    )(flowT, flowT, wk, b2)
    return out.reshape(E)


def _sc_scatter(conc, size, src, dst, vals, N2):
    N = conc.shape[0]
    E = src.shape[0]
    ep = E // NW

    mesh = plsc.VectorSubcoreMesh(
        core_axis_name="c", subcore_axis_name="s",
        num_cores=NC, num_subcores=NS)

    UNROLL = 5
    n_chunks = ep // LANES
    assert n_chunks % UNROLL == 0
    nz = N2 // LANES
    assert nz % UNROLL == 0

    def body(conc_hbm, size_hbm, src_hbm, dst_hbm, vals_hbm, part_hbm,
             conc_v, size_v, acc_v, src_v, dst_v, vals_v, sems):
        wid = lax.axis_index("s") * NC + lax.axis_index("c")
        base = wid * ep
        cps = [
            pltpu.async_copy(conc_hbm, conc_v, sems.at[0]),
            pltpu.async_copy(size_hbm, size_v, sems.at[1]),
            pltpu.async_copy(src_hbm.at[pl.ds(base, ep)], src_v, sems.at[2]),
            pltpu.async_copy(dst_hbm.at[pl.ds(base, ep)], dst_v, sems.at[3]),
            pltpu.async_copy(vals_hbm.at[pl.ds(base, ep)], vals_v, sems.at[4]),
        ]

        @plsc.parallel_loop(0, nz, step=1, unroll=UNROLL)
        def zero_body(i):
            acc_v[pl.ds(i * LANES, LANES)] = jnp.zeros((LANES,), jnp.float32)

        for cp in cps:
            cp.wait()

        @plsc.parallel_loop(0, n_chunks, step=1, unroll=UNROLL)
        def edge_body(i):
            sl = pl.ds(i * LANES, LANES)
            s = src_v[sl]
            d = dst_v[sl]
            v = vals_v[sl]
            cs = plsc.load_gather(conc_v, [s])
            szs = plsc.load_gather(size_v, [s])
            szd = plsc.load_gather(size_v, [d])
            contrib = jnp.where(s != d, v * cs * TIME_STEP,
                                jnp.zeros((LANES,), jnp.float32))
            plsc.addupdate_scatter(acc_v, [s], -contrib / szs)
            plsc.addupdate_scatter(acc_v, [d], contrib / szd)

        pltpu.sync_copy(acc_v, part_hbm.at[wid])

    fn = pl.kernel(
        body,
        out_type=jax.ShapeDtypeStruct((NW, N2), jnp.float32),
        mesh=mesh,
        compiler_params=pltpu.CompilerParams(needs_layout_passes=False),
        scratch_types=[
            pltpu.VMEM((N,), jnp.float32),
            pltpu.VMEM((N,), jnp.float32),
            pltpu.VMEM((N2,), jnp.float32),
            pltpu.VMEM((ep,), jnp.int32),
            pltpu.VMEM((ep,), jnp.int32),
            pltpu.VMEM((ep,), jnp.float32),
            pltpu.SemaphoreType.DMA((5,)),
        ],
    )
    return fn(conc, size, src, dst, vals)


def _final(partials, conc_p, people_p, size_p, N, N2):
    def body(part_ref, conc_ref, people_ref, size_ref, out_ref):
        nn = jnp.sum(part_ref[...], axis=0, keepdims=True)
        pex = HUMAN_EXHALATION_FLOW * people_ref[...] / size_ref[...]
        idx = lax.broadcasted_iota(jnp.int32, (1, N2), 1)
        mask = jnp.where(idx == N - 1, 0.0, 1.0)
        out_ref[...] = conc_ref[...] + (nn + pex * TIME_STEP) * mask

    return pl.pallas_call(
        body,
        out_shape=jax.ShapeDtypeStruct((1, N2), jnp.float32),
    )(partials, conc_p, people_p, size_p)


def kernel(origin_data, flow, edge_index, conv_w, conv_b):
    N = origin_data.shape[0]
    E = edge_index.shape[1]
    N2 = ((N + 2559) // 2560) * 2560

    conc = origin_data[:, -1, 0]
    people = origin_data[:, -1, 1]
    size = origin_data[:, -1, 2]

    flowT = jnp.transpose(flow.reshape(E + 2, 12)).astype(jnp.bfloat16)
    wk = jnp.transpose(conv_w[0], (1, 2, 0)).reshape(3, 12).astype(jnp.bfloat16)
    b2 = conv_b.reshape(1, 1)
    vals = _conv_vals(flowT, wk, b2, E)

    src = edge_index[0]
    dst = edge_index[1]
    partials = _sc_scatter(conc, size, src, dst, vals, N2)

    pad = N2 - N
    conc_p = jnp.pad(conc, (0, pad)).reshape(1, N2)
    people_p = jnp.pad(people, (0, pad)).reshape(1, N2)
    size_p = jnp.pad(size, (0, pad), constant_values=1.0).reshape(1, N2)
    res_p = _final(partials, conc_p, people_p, size_p, N, N2)

    result = res_p[0, :N][:, None]
    edge_feat = jnp.concatenate(
        [edge_index.T.astype(jnp.float32), vals[:, None]], axis=1)
    return (result, edge_feat)

# --- scband reference (transcript-rebuilt; emitter-appended) ---
"""Pipeline reference for scband-pinnlayer-27977416966567 (READ-ONLY COPY).

The authoritative reference and input builder live on the scoring server;
editing this copy changes nothing except your own understanding.
"""

import jax, jax.numpy as jnp
import numpy as np

HUMAN_EXHALATION_FLOW = 0.0052
TIME_STEP = 1.0
N_NODES = 10000
N_EDGES = 640000
KSIZE = 3
IN_DIM = 4


def setup_inputs(seed: int = 0):
    key = jax.random.key(seed)
    k1, k2, k3, k4, k5 = jax.random.split(key, 5)
    # size channel (origin_data[:, -1, 2]) is a divisor; keep it bounded away from 0
    origin_data = jax.random.uniform(k1, (N_NODES, 12, 3), minval=0.5, maxval=1.5, dtype=jnp.float32)
    # conv with kernel KSIZE and VALID padding maps [E+KSIZE-1, KSIZE, IN_DIM] -> [E, 1, 1]
    flow = jax.random.normal(k2, (N_EDGES + KSIZE - 1, KSIZE, IN_DIM), dtype=jnp.float32)
    edge_index = jax.random.randint(k3, (2, N_EDGES), 0, N_NODES, dtype=jnp.int32)
    conv_w = jax.random.normal(k4, (1, IN_DIM, KSIZE, KSIZE), dtype=jnp.float32) * (1.0 / np.sqrt(IN_DIM * KSIZE * KSIZE))
    conv_b = jax.random.normal(k5, (1,), dtype=jnp.float32) * 0.01
    return {"origin_data": origin_data, "flow": flow, "edge_index": edge_index, "conv_w": conv_w, "conv_b": conv_b}


def _flow_conv(flow, conv_w, conv_b):
    # torch: unsqueeze(0) -> permute(0,3,1,2) -> Conv2d -> permute back -> squeeze(0)
    x = jnp.transpose(flow, (2, 0, 1))[None]  # [1, C, H, W]
    y = jax.lax.conv_general_dilated(
        x, conv_w, window_strides=(1, 1), padding='VALID',
        dimension_numbers=('NCHW', 'OIHW', 'NCHW'))
    y = y + conv_b[None, :, None, None]
    return jnp.transpose(y[0], (1, 2, 0))  # [E, 1, out_dim=1]


def reference(origin_data, flow, edge_index, conv_w, conv_b):
    N = origin_data.shape[0]
    concentration = origin_data[:, -1, 0]
    people = origin_data[:, -1, 1]
    size = origin_data[:, -1, 2]
    mask = jnp.ones(N, dtype=jnp.float32).at[-1].set(0.0)
    fc = _flow_conv(flow, conv_w, conv_b)  # [E, 1, 1]
    vals = fc[:, 0, 0]  # scalar flow value per edge (== value.item() in torch loop)
    src = edge_index[0]
    dst = edge_index[1]
    valid = (src != dst).astype(jnp.float32)  # skip self-loops, as in the torch loop
    contrib = vals * concentration[src] * valid * TIME_STEP
    node_new = jnp.zeros(N, dtype=jnp.float32)
    node_new = node_new.at[src].add(-contrib / size[src])
    node_new = node_new.at[dst].add(contrib / size[dst])
    people_ex = HUMAN_EXHALATION_FLOW * people / size  # _people_exhaled, vectorized
    result = concentration + (node_new + people_ex * TIME_STEP) * mask
    edge_feat = jnp.concatenate([edge_index.T.astype(jnp.float32), fc[:, :, 0]], axis=1)  # [E, 3]
    return (result[:, None], edge_feat)

if __name__ == "__main__":
    import jax
    _d = setup_inputs()
    print(jax.jit(kernel)(*tuple(_d.values())))

</pallas_src>

<mosaic_0001>
#map = affine_map<(d0, d1) -> (0)>
#map1 = affine_map<(d0, d1) -> (0, 0)>
module attributes {stable_mosaic.version = 14 : i64} {
  func.func @body(%arg0: i32, %arg1: i32, %arg2: memref<10000xf32, #tpu.memory_space<hbm>>, %arg3: memref<10000xf32, #tpu.memory_space<hbm>>, %arg4: memref<640000xi32, #tpu.memory_space<hbm>>, %arg5: memref<640000xi32, #tpu.memory_space<hbm>>, %arg6: memref<640000xf32, #tpu.memory_space<hbm>>, %arg7: memref<32x10240xf32, #tpu.memory_space<hbm>>, %arg8: memref<10000xf32, #tpu.memory_space<vmem>>, %arg9: memref<10000xf32, #tpu.memory_space<vmem>>, %arg10: memref<10240xf32, #tpu.memory_space<vmem>>, %arg11: memref<20000xi32, #tpu.memory_space<vmem>>, %arg12: memref<20000xi32, #tpu.memory_space<vmem>>, %arg13: memref<20000xf32, #tpu.memory_space<vmem>>, %arg14: memref<5x!tpu.dma_semaphore, #tpu.memory_space<semaphore_mem>>) attributes {dimension_semantics = [#tpu.dimension_semantics<core_parallel>, #tpu.dimension_semantics<subcore_parallel>], iteration_bounds = array<i64: 2, 16>, scalar_prefetch = 0 : i64, scratch_operands = 7 : i64, tpu.core_type = #tpu.core_type<sc_vector_subcore>, window_params = [{transform_indices = #map}, {transform_indices = #map}, {transform_indices = #map}, {transform_indices = #map}, {transform_indices = #map}, {transform_indices = #map1}]} {
    %mul3A = arith.constant 2 : i32
    %mul3A_0 = arith.muli %arg1, %mul3A : i32
    %add3A = arith.addi %mul3A_0, %arg0 : i32
    %mul3A_1 = arith.constant 20000 : i32
    %mul3A_2 = arith.muli %add3A, %mul3A_1 : i32
    %dma_start3A = arith.constant 0 : i32
    %dma_start3A_3 = tpu.memref_slice %arg14[%dma_start3A] : memref<5x!tpu.dma_semaphore, #tpu.memory_space<semaphore_mem>> -> memref<1x!tpu.dma_semaphore, #tpu.memory_space<semaphore_mem>>
    %dma_start3A_4 = tpu.memref_squeeze %dma_start3A_3 : memref<1x!tpu.dma_semaphore, #tpu.memory_space<semaphore_mem>> -> memref<!tpu.dma_semaphore, #tpu.memory_space<semaphore_mem>>
    tpu.enqueue_dma source(%arg2 : memref<10000xf32, #tpu.memory_space<hbm>>) target(%arg8 : memref<10000xf32, #tpu.memory_space<vmem>>) target_semaphore(%dma_start3A_4 : memref<!tpu.dma_semaphore, #tpu.memory_space<semaphore_mem>>)
    %dma_start3A_5 = arith.constant 1 : i32
    %dma_start3A_6 = tpu.memref_slice %arg14[%dma_start3A_5] : memref<5x!tpu.dma_semaphore, #tpu.memory_space<semaphore_mem>> -> memref<1x!tpu.dma_semaphore, #tpu.memory_space<semaphore_mem>>
    %dma_start3A_7 = tpu.memref_squeeze %dma_start3A_6 : memref<1x!tpu.dma_semaphore, #tpu.memory_space<semaphore_mem>> -> memref<!tpu.dma_semaphore, #tpu.memory_space<semaphore_mem>>
    tpu.enqueue_dma source(%arg3 : memref<10000xf32, #tpu.memory_space<hbm>>) target(%arg9 : memref<10000xf32, #tpu.memory_space<vmem>>) target_semaphore(%dma_start3A_7 : memref<!tpu.dma_semaphore, #tpu.memory_space<semaphore_mem>>)
    %dma_start3A_8 = arith.constant 2 : i32
    %dma_start3A_9 = tpu.memref_slice %arg4[%mul3A_2] : memref<640000xi32, #tpu.memory_space<hbm>> -> memref<20000xi32, #tpu.memory_space<hbm>>
    %dma_start3A_10 = tpu.memref_slice %arg14[%dma_start3A_8] : memref<5x!tpu.dma_semaphore, #tpu.memory_space<semaphore_mem>> -> memref<1x!tpu.dma_semaphore, #tpu.memory_space<semaphore_mem>>
    %dma_start3A_11 = tpu.memref_squeeze %dma_start3A_10 : memref<1x!tpu.dma_semaphore, #tpu.memory_space<semaphore_mem>> -> memref<!tpu.dma_semaphore, #tpu.memory_space<semaphore_mem>>
    %dma_start3A_12 = tpu.memref_slice %arg4[%mul3A_2] : memref<640000xi32, #tpu.memory_space<hbm>> -> memref<20000xi32, #tpu.memory_space<hbm>>
    tpu.enqueue_dma source(%dma_start3A_12 : memref<20000xi32, #tpu.memory_space<hbm>>) target(%arg11 : memref<20000xi32, #tpu.memory_space<vmem>>) target_semaphore(%dma_start3A_11 : memref<!tpu.dma_semaphore, #tpu.memory_space<semaphore_mem>>)
    %dma_start3A_13 = arith.constant 3 : i32
    %dma_start3A_14 = tpu.memref_slice %arg5[%mul3A_2] : memref<640000xi32, #tpu.memory_space<hbm>> -> memref<20000xi32, #tpu.memory_space<hbm>>
    %dma_start3A_15 = tpu.memref_slice %arg14[%dma_start3A_13] : memref<5x!tpu.dma_semaphore, #tpu.memory_space<semaphore_mem>> -> memref<1x!tpu.dma_semaphore, #tpu.memory_space<semaphore_mem>>
    %dma_start3A_16 = tpu.memref_squeeze %dma_start3A_15 : memref<1x!tpu.dma_semaphore, #tpu.memory_space<semaphore_mem>> -> memref<!tpu.dma_semaphore, #tpu.memory_space<semaphore_mem>>
    %dma_start3A_17 = tpu.memref_slice %arg5[%mul3A_2] : memref<640000xi32, #tpu.memory_space<hbm>> -> memref<20000xi32, #tpu.memory_space<hbm>>
    tpu.enqueue_dma source(%dma_start3A_17 : memref<20000xi32, #tpu.memory_space<hbm>>) target(%arg12 : memref<20000xi32, #tpu.memory_space<vmem>>) target_semaphore(%dma_start3A_16 : memref<!tpu.dma_semaphore, #tpu.memory_space<semaphore_mem>>)
    %dma_start3A_18 = arith.constant 4 : i32
    %dma_start3A_19 = tpu.memref_slice %arg6[%mul3A_2] : memref<640000xf32, #tpu.memory_space<hbm>> -> memref<20000xf32, #tpu.memory_space<hbm>>
    %dma_start3A_20 = tpu.memref_slice %arg14[%dma_start3A_18] : memref<5x!tpu.dma_semaphore, #tpu.memory_space<semaphore_mem>> -> memref<1x!tpu.dma_semaphore, #tpu.memory_space<semaphore_mem>>
    %dma_start3A_21 = tpu.memref_squeeze %dma_start3A_20 : memref<1x!tpu.dma_semaphore, #tpu.memory_space<semaphore_mem>> -> memref<!tpu.dma_semaphore, #tpu.memory_space<semaphore_mem>>
    %dma_start3A_22 = tpu.memref_slice %arg6[%mul3A_2] : memref<640000xf32, #tpu.memory_space<hbm>> -> memref<20000xf32, #tpu.memory_space<hbm>>
    tpu.enqueue_dma source(%dma_start3A_22 : memref<20000xf32, #tpu.memory_space<hbm>>) target(%arg13 : memref<20000xf32, #tpu.memory_space<vmem>>) target_semaphore(%dma_start3A_21 : memref<!tpu.dma_semaphore, #tpu.memory_space<semaphore_mem>>)
    %parallel_loop3A = arith.constant 0 : i32
    %parallel_loop3A_23 = arith.constant 640 : i32
    %parallel_loop3A_24 = arith.constant 1 : i32
    scf.for %parallel_loop3A_48 = %parallel_loop3A to %parallel_loop3A_23 step %parallel_loop3A_24  : i32 {
      %parallel_loop3A_49 = arith.constant 0.000000e+00 : f32
      %parallel_loop3A_50 = vector.broadcast %parallel_loop3A_49 : f32 to vector<16xf32>
      %parallel_loop3A_51 = arith.constant 16 : i32
      %parallel_loop3A_52 = arith.muli %parallel_loop3A_48, %parallel_loop3A_51 : i32
      %parallel_loop3A_53 = arith.index_cast %parallel_loop3A_52 : i32 to index
      %parallel_loop3A_54 = tpu.vector_load %arg10[%parallel_loop3A_53] {strides = array<i32>} : memref<10240xf32, #tpu.memory_space<vmem>>, vector<16xf32>,
      tpu.vector_store %arg10[%parallel_loop3A_53], %parallel_loop3A_50 {strides = array<i32>} : memref<10240xf32, #tpu.memory_space<vmem>>, vector<16xf32>,
    } {sc.loop_unroll_factor = 5 : i64, sc.parallel_access}
    %dma_wait3A = arith.constant 0 : i32
    %dma_wait3A_25 = tpu.memref_slice %arg14[%dma_wait3A] : memref<5x!tpu.dma_semaphore, #tpu.memory_space<semaphore_mem>> -> memref<1x!tpu.dma_semaphore, #tpu.memory_space<semaphore_mem>>
    %dma_wait3A_26 = tpu.memref_squeeze %dma_wait3A_25 : memref<1x!tpu.dma_semaphore, #tpu.memory_space<semaphore_mem>> -> memref<!tpu.dma_semaphore, #tpu.memory_space<semaphore_mem>>
    tpu.wait_dma2 semaphore(%dma_wait3A_26 : memref<!tpu.dma_semaphore, #tpu.memory_space<semaphore_mem>>) src(%arg2 : memref<10000xf32, #tpu.memory_space<hbm>>) dst(%arg8 : memref<10000xf32, #tpu.memory_space<vmem>>)
    %dma_wait3A_27 = arith.constant 1 : i32
    %dma_wait3A_28 = tpu.memref_slice %arg14[%dma_wait3A_27] : memref<5x!tpu.dma_semaphore, #tpu.memory_space<semaphore_mem>> -> memref<1x!tpu.dma_semaphore, #tpu.memory_space<semaphore_mem>>
    %dma_wait3A_29 = tpu.memref_squeeze %dma_wait3A_28 : memref<1x!tpu.dma_semaphore, #tpu.memory_space<semaphore_mem>> -> memref<!tpu.dma_semaphore, #tpu.memory_space<semaphore_mem>>
    tpu.wait_dma2 semaphore(%dma_wait3A_29 : memref<!tpu.dma_semaphore, #tpu.memory_space<semaphore_mem>>) src(%arg3 : memref<10000xf32, #tpu.memory_space<hbm>>) dst(%arg9 : memref<10000xf32, #tpu.memory_space<vmem>>)
    %dma_wait3A_30 = arith.constant 2 : i32
    %dma_wait3A_31 = tpu.memref_slice %arg4[%mul3A_2] : memref<640000xi32, #tpu.memory_space<hbm>> -> memref<20000xi32, #tpu.memory_space<hbm>>
    %dma_wait3A_32 = tpu.memref_slice %arg14[%dma_wait3A_30] : memref<5x!tpu.dma_semaphore, #tpu.memory_space<semaphore_mem>> -> memref<1x!tpu.dma_semaphore, #tpu.memory_space<semaphore_mem>>
    %dma_wait3A_33 = tpu.memref_squeeze %dma_wait3A_32 : memref<1x!tpu.dma_semaphore, #tpu.memory_space<semaphore_mem>> -> memref<!tpu.dma_semaphore, #tpu.memory_space<semaphore_mem>>
    %dma_wait3A_34 = tpu.memref_slice %arg4[%mul3A_2] : memref<640000xi32, #tpu.memory_space<hbm>> -> memref<20000xi32, #tpu.memory_space<hbm>>
    tpu.wait_dma2 semaphore(%dma_wait3A_33 : memref<!tpu.dma_semaphore, #tpu.memory_space<semaphore_mem>>) src(%dma_wait3A_34 : memref<20000xi32, #tpu.memory_space<hbm>>) dst(%arg11 : memref<20000xi32, #tpu.memory_space<vmem>>)
    %dma_wait3A_35 = arith.constant 3 : i32
    %dma_wait3A_36 = tpu.memref_slice %arg5[%mul3A_2] : memref<640000xi32, #tpu.memory_space<hbm>> -> memref<20000xi32, #tpu.memory_space<hbm>>
    %dma_wait3A_37 = tpu.memref_slice %arg14[%dma_wait3A_35] : memref<5x!tpu.dma_semaphore, #tpu.memory_space<semaphore_mem>> -> memref<1x!tpu.dma_semaphore, #tpu.memory_space<semaphore_mem>>
    %dma_wait3A_38 = tpu.memref_squeeze %dma_wait3A_37 : memref<1x!tpu.dma_semaphore, #tpu.memory_space<semaphore_mem>> -> memref<!tpu.dma_semaphore, #tpu.memory_space<semaphore_mem>>
    %dma_wait3A_39 = tpu.memref_slice %arg5[%mul3A_2] : memref<640000xi32, #tpu.memory_space<hbm>> -> memref<20000xi32, #tpu.memory_space<hbm>>
    tpu.wait_dma2 semaphore(%dma_wait3A_38 : memref<!tpu.dma_semaphore, #tpu.memory_space<semaphore_mem>>) src(%dma_wait3A_39 : memref<20000xi32, #tpu.memory_space<hbm>>) dst(%arg12 : memref<20000xi32, #tpu.memory_space<vmem>>)
    %dma_wait3A_40 = arith.constant 4 : i32
    %dma_wait3A_41 = tpu.memref_slice %arg6[%mul3A_2] : memref<640000xf32, #tpu.memory_space<hbm>> -> memref<20000xf32, #tpu.memory_space<hbm>>
    %dma_wait3A_42 = tpu.memref_slice %arg14[%dma_wait3A_40] : memref<5x!tpu.dma_semaphore, #tpu.memory_space<semaphore_mem>> -> memref<1x!tpu.dma_semaphore, #tpu.memory_space<semaphore_mem>>
    %dma_wait3A_43 = tpu.memref_squeeze %dma_wait3A_42 : memref<1x!tpu.dma_semaphore, #tpu.memory_space<semaphore_mem>> -> memref<!tpu.dma_semaphore, #tpu.memory_space<semaphore_mem>>
    %dma_wait3A_44 = tpu.memref_slice %arg6[%mul3A_2] : memref<640000xf32, #tpu.memory_space<hbm>> -> memref<20000xf32, #tpu.memory_space<hbm>>
    tpu.wait_dma2 semaphore(%dma_wait3A_43 : memref<!tpu.dma_semaphore, #tpu.memory_space<semaphore_mem>>) src(%dma_wait3A_44 : memref<20000xf32, #tpu.memory_space<hbm>>) dst(%arg13 : memref<20000xf32, #tpu.memory_space<vmem>>)
    %parallel_loop3A_45 = arith.constant 0 : i32
    %parallel_loop3A_46 = arith.constant 1250 : i32
    %parallel_loop3A_47 = arith.constant 1 : i32
    scf.for %parallel_loop3A_48 = %parallel_loop3A_45 to %parallel_loop3A_46 step %parallel_loop3A_47  : i32 {
      %parallel_loop3A_49 = arith.constant 16 : i32
      %parallel_loop3A_50 = arith.muli %parallel_loop3A_48, %parallel_loop3A_49 : i32
      %parallel_loop3A_51 = arith.index_cast %parallel_loop3A_50 : i32 to index
      %parallel_loop3A_52 = tpu.vector_load %arg11[%parallel_loop3A_51] {strides = array<i32>} : memref<20000xi32, #tpu.memory_space<vmem>>, vector<16xi32>,
      %parallel_loop3A_53 = arith.index_cast %parallel_loop3A_50 : i32 to index
      %parallel_loop3A_54 = tpu.vector_load %arg12[%parallel_loop3A_53] {strides = array<i32>} : memref<20000xi32, #tpu.memory_space<vmem>>, vector<16xi32>,
      %parallel_loop3A_55 = arith.index_cast %parallel_loop3A_50 : i32 to index
      %parallel_loop3A_56 = tpu.vector_load %arg13[%parallel_loop3A_55] {strides = array<i32>} : memref<20000xf32, #tpu.memory_space<vmem>>, vector<16xf32>,
      %parallel_loop3A_57 = tpu.vector_load_idx %arg8[%parallel_loop3A_52] : memref<10000xf32, #tpu.memory_space<vmem>>[vector<16xi32>], vector<16xf32>,
      %parallel_loop3A_58 = tpu.vector_load_idx %arg9[%parallel_loop3A_52] : memref<10000xf32, #tpu.memory_space<vmem>>[vector<16xi32>], vector<16xf32>,
      %parallel_loop3A_59 = tpu.vector_load_idx %arg9[%parallel_loop3A_54] : memref<10000xf32, #tpu.memory_space<vmem>>[vector<16xi32>], vector<16xf32>,
      %parallel_loop3A_60 = arith.cmpi ne, %parallel_loop3A_52, %parallel_loop3A_54 : vector<16xi32>
      %parallel_loop3A_61 = arith.mulf %parallel_loop3A_56, %parallel_loop3A_57 : vector<16xf32>
      %parallel_loop3A_62 = arith.constant 1.000000e+00 : f32
      %parallel_loop3A_63 = vector.broadcast %parallel_loop3A_62 : f32 to vector<16xf32>
      %parallel_loop3A_64 = arith.mulf %parallel_loop3A_61, %parallel_loop3A_63 : vector<16xf32>
      %parallel_loop3A_65 = arith.constant 0.000000e+00 : f32
      %parallel_loop3A_66 = vector.broadcast %parallel_loop3A_65 : f32 to vector<16xf32>
      %parallel_loop3A_67 = arith.select %parallel_loop3A_60, %parallel_loop3A_64, %parallel_loop3A_66 : vector<16xi1>, vector<16xf32>
      %parallel_loop3A_68 = arith.constant 0.000000e+00 : f32
      %parallel_loop3A_69 = vector.broadcast %parallel_loop3A_68 : f32 to vector<16xf32>
      %parallel_loop3A_70 = arith.subf %parallel_loop3A_69, %parallel_loop3A_67 : vector<16xf32>
      %parallel_loop3A_71 = arith.divf %parallel_loop3A_70, %parallel_loop3A_58 : vector<16xf32>
      tpu.vector_store_idx %arg10[%parallel_loop3A_52], %parallel_loop3A_71 {add = true} : memref<10240xf32, #tpu.memory_space<vmem>>[vector<16xi32>], vector<16xf32>,
      %parallel_loop3A_72 = arith.divf %parallel_loop3A_67, %parallel_loop3A_59 : vector<16xf32>
      tpu.vector_store_idx %arg10[%parallel_loop3A_54], %parallel_loop3A_72 {add = true} : memref<10240xf32, #tpu.memory_space<vmem>>[vector<16xi32>], vector<16xf32>,
    } {sc.loop_unroll_factor = 5 : i64, sc.parallel_access}
    "tpu.region"() ({
      %run_scoped3A = tpu.sem_alloc : memref<!tpu.dma_semaphore, #tpu.memory_space<semaphore_mem>>
      %dma_start3A_48 = arith.constant 0 : i32
      %dma_start3A_49 = tpu.memref_slice %arg7[%add3A, %dma_start3A_48] : memref<32x10240xf32, #tpu.memory_space<hbm>> -> memref<1x10240xf32, #tpu.memory_space<hbm>>
      %dma_start3A_50 = tpu.memref_squeeze %dma_start3A_49 : memref<1x10240xf32, #tpu.memory_space<hbm>> -> memref<10240xf32, #tpu.memory_space<hbm>>
      %dma_start3A_51 = arith.constant 0 : i32
      %dma_start3A_52 = tpu.memref_slice %arg7[%add3A, %dma_start3A_51] : memref<32x10240xf32, #tpu.memory_space<hbm>> -> memref<1x10240xf32, #tpu.memory_space<hbm>>
      %dma_start3A_53 = tpu.memref_squeeze %dma_start3A_52 : memref<1x10240xf32, #tpu.memory_space<hbm>> -> memref<10240xf32, #tpu.memory_space<hbm>>
      tpu.enqueue_dma source(%arg10 : memref<10240xf32, #tpu.memory_space<vmem>>) target(%dma_start3A_53 : memref<10240xf32, #tpu.memory_space<hbm>>) target_semaphore(%run_scoped3A : memref<!tpu.dma_semaphore, #tpu.memory_space<semaphore_mem>>)
      %dma_wait3A_54 = arith.constant 0 : i32
      %dma_wait3A_55 = tpu.memref_slice %arg7[%add3A, %dma_wait3A_54] : memref<32x10240xf32, #tpu.memory_space<hbm>> -> memref<1x10240xf32, #tpu.memory_space<hbm>>
      %dma_wait3A_56 = tpu.memref_squeeze %dma_wait3A_55 : memref<1x10240xf32, #tpu.memory_space<hbm>> -> memref<10240xf32, #tpu.memory_space<hbm>>
      %dma_wait3A_57 = arith.constant 0 : i32
      %dma_wait3A_58 = tpu.memref_slice %arg7[%add3A, %dma_wait3A_57] : memref<32x10240xf32, #tpu.memory_space<hbm>> -> memref<1x10240xf32, #tpu.memory_space<hbm>>
      %dma_wait3A_59 = tpu.memref_squeeze %dma_wait3A_58 : memref<1x10240xf32, #tpu.memory_space<hbm>> -> memref<10240xf32, #tpu.memory_space<hbm>>
      tpu.wait_dma2 semaphore(%run_scoped3A : memref<!tpu.dma_semaphore, #tpu.memory_space<semaphore_mem>>) src(%arg10 : memref<10240xf32, #tpu.memory_space<vmem>>) dst(%dma_wait3A_59 : memref<10240xf32, #tpu.memory_space<hbm>>)
      tpu.yield
    }) : () -> ()
    return
  }
}

module attributes {stable_mosaic.version = 14 : i64} {
  func.func @_conv_body(%arg0: i32, %arg1: memref<12x128000xbf16, #tpu.memory_space<vmem>>, %arg2: memref<12x128xbf16, #tpu.memory_space<vmem>>, %arg3: memref<3x12xbf16, #tpu.memory_space<vmem>>, %arg4: memref<1x1xf32, #tpu.memory_space<vmem>>, %arg5: memref<1x128000xf32, #tpu.memory_space<vmem>>) attributes {dimension_semantics = [#tpu.dimension_semantics<arbitrary>], iteration_bounds = array<i64: 5>, scalar_prefetch = 0 : i64, scratch_operands = 0 : i64, tpu.core_type = #tpu.core_type<tc>, window_params = [{transform_indices = @transform_0, window_bounds = array<i64: 12, 128000>}, {transform_indices = @transform_1, window_bounds = array<i64: 12, 128>}, {pipeline_mode = #tpu.pipeline_mode<synchronous>, transform_indices = @transform_2, window_bounds = array<i64: 3, 12>}, {pipeline_mode = #tpu.pipeline_mode<synchronous>, transform_indices = @transform_3, window_bounds = array<i64: 1, 1>}, {transform_indices = @transform_4, window_bounds = array<i64: 1, 128000>}]} {
    %get3A = arith.constant 0 : index
    %get3A_0 = arith.constant 0 : index
    %get3A_1 = vector.load %arg3[%get3A, %get3A_0] : memref<3x12xbf16, #tpu.memory_space<vmem>>, vector<3x12xbf16>
    %get3A_2 = arith.constant 0 : index
    %get3A_3 = arith.constant 0 : index
    %get3A_4 = vector.load %arg1[%get3A_2, %get3A_3] : memref<12x128000xbf16, #tpu.memory_space<vmem>>, vector<12x128000xbf16>
    %dot_general3A = arith.constant dense<0.000000e+00> : vector<3x128000xf32>
    %dot_general3A_5 = tpu.matmul %get3A_1, %get3A_4, %dot_general3A {dimension_numbers = #tpu.dot_dimension_numbers<[1], [0], [0], [1], [0, 0, 1, 1], [], []>, transpose_lhs_hint = false} : vector<3x12xbf16>, vector<12x128000xbf16>, vector<3x128000xf32> -> vector<3x128000xf32>
    %get3A_6 = arith.constant 0 : index
    %get3A_7 = arith.constant 0 : index
    %get3A_8 = vector.load %arg3[%get3A_6, %get3A_7] : memref<3x12xbf16, #tpu.memory_space<vmem>>, vector<3x12xbf16>
    %get3A_9 = arith.constant 0 : index
    %get3A_10 = arith.constant 0 : index
    %get3A_11 = vector.load %arg2[%get3A_9, %get3A_10] : memref<12x128xbf16, #tpu.memory_space<vmem>>, vector<12x128xbf16>
    %dot_general3A_12 = arith.constant dense<0.000000e+00> : vector<3x128xf32>
    %dot_general3A_13 = tpu.matmul %get3A_8, %get3A_11, %dot_general3A_12 {dimension_numbers = #tpu.dot_dimension_numbers<[1], [0], [0], [1], [0, 0, 1, 1], [], []>, transpose_lhs_hint = false} : vector<3x12xbf16>, vector<12x128xbf16>, vector<3x128xf32> -> vector<3x128xf32>
    %concatenate3A = tpu.concatenate %dot_general3A_5, %dot_general3A_13 in 1 : vector<3x128000xf32>, vector<3x128xf32> -> vector<3x128128xf32>
    %slice3A = vector.extract_strided_slice %concatenate3A {offsets = [0, 0], sizes = [1, 128000], strides = [1, 1]} : vector<3x128128xf32> to vector<1x128000xf32>
    %slice3A_14 = vector.extract_strided_slice %concatenate3A {offsets = [1, 1], sizes = [1, 128000], strides = [1, 1]} : vector<3x128128xf32> to vector<1x128000xf32>
    %add3A = arith.addf %slice3A, %slice3A_14 : vector<1x128000xf32>
    %slice3A_15 = vector.extract_strided_slice %concatenate3A {offsets = [2, 2], sizes = [1, 128000], strides = [1, 1]} : vector<3x128128xf32> to vector<1x128000xf32>
    %add3A_16 = arith.addf %add3A, %slice3A_15 : vector<1x128000xf32>
    %get3A_17 = arith.constant 0 : index
    %get3A_18 = arith.constant 0 : index
    %get3A_19 = vector.load %arg4[%get3A_17, %get3A_18] : memref<1x1xf32, #tpu.memory_space<vmem>>, vector<1x1xf32>
    %add3A_20 = vector.broadcast %get3A_19 : vector<1x1xf32> to vector<1x128000xf32>
    %add3A_21 = arith.addf %add3A_16, %add3A_20 : vector<1x128000xf32>
    %swap3A = arith.constant 0 : index
    %swap3A_22 = arith.constant 0 : index
    %swap3A_23 = vector.load %arg5[%swap3A, %swap3A_22] : memref<1x128000xf32, #tpu.memory_space<vmem>>, vector<1x128000xf32>
    tpu.vector_store %arg5[%swap3A, %swap3A_22], %add3A_21 {strides = array<i32>} : memref<1x128000xf32, #tpu.memory_space<vmem>>, vector<1x128000xf32>,
    return
  }
  func.func @transform_0(%arg0: i32) -> (i32, i32) {
    %c0_i32 = arith.constant 0 : i32
    %c0_i32_0 = arith.constant 0 : i32
    return %c0_i32, %arg0 : i32, i32
  }
  func.func @transform_1(%arg0: i32) -> (i32, i32) {
    %add3A = arith.constant 1 : i32
    %add3A_0 = arith.addi %arg0, %add3A : i32
    %mul3A = arith.constant 1000 : i32
    %mul3A_1 = arith.muli %add3A_0, %mul3A : i32
    %c0_i32 = arith.constant 0 : i32
    %c0_i32_2 = arith.constant 0 : i32
    return %c0_i32, %mul3A_1 : i32, i32
  }
  func.func @transform_2(%arg0: i32) -> (i32, i32) {
    %c0_i32 = arith.constant 0 : i32
    %c0_i32_0 = arith.constant 0 : i32
    %c0_i32_1 = arith.constant 0 : i32
    return %c0_i32, %c0_i32_0 : i32, i32
  }
  func.func @transform_3(%arg0: i32) -> (i32, i32) {
    %c0_i32 = arith.constant 0 : i32
    %c0_i32_0 = arith.constant 0 : i32
    %c0_i32_1 = arith.constant 0 : i32
    return %c0_i32, %c0_i32_0 : i32, i32
  }
  func.func @transform_4(%arg0: i32) -> (i32, i32) {
    %c0_i32 = arith.constant 0 : i32
    %c0_i32_0 = arith.constant 0 : i32
    return %c0_i32, %arg0 : i32, i32
  }
}

module attributes {stable_mosaic.version = 14 : i64} {
  func.func @body(%arg0: memref<32x10240xf32, #tpu.memory_space<vmem>>, %arg1: memref<1x10240xf32, #tpu.memory_space<vmem>>, %arg2: memref<1x10240xf32, #tpu.memory_space<vmem>>, %arg3: memref<1x10240xf32, #tpu.memory_space<vmem>>, %arg4: memref<1x10240xf32, #tpu.memory_space<vmem>>) attributes {dimension_semantics = [], scalar_prefetch = 0 : i64, scratch_operands = 0 : i64, tpu.core_type = #tpu.core_type<tc>} {
    %get3A = arith.constant 0 : index
    %get3A_0 = arith.constant 0 : index
    %get3A_1 = vector.load %arg0[%get3A, %get3A_0] : memref<32x10240xf32, #tpu.memory_space<vmem>>, vector<32x10240xf32>
    %reduce_sum3A = arith.constant dense<0.000000e+00> : vector<10240xf32>
    %reduce_sum3A_2 = vector.multi_reduction <add>, %get3A_1, %reduce_sum3A [0] : vector<32x10240xf32> to vector<10240xf32>
    %broadcast_in_dim3A = vector.shape_cast %reduce_sum3A_2 : vector<10240xf32> to vector<1x10240xf32>
    %get3A_3 = arith.constant 0 : index
    %get3A_4 = arith.constant 0 : index
    %get3A_5 = vector.load %arg2[%get3A_3, %get3A_4] : memref<1x10240xf32, #tpu.memory_space<vmem>>, vector<1x10240xf32>
    %mul3A = arith.constant 5.200000e-03 : f32
    %mul3A_6 = vector.broadcast %mul3A : f32 to vector<1x10240xf32>
    %mul3A_7 = arith.mulf %mul3A_6, %get3A_5 : vector<1x10240xf32>
    %get3A_8 = arith.constant 0 : index
    %get3A_9 = arith.constant 0 : index
    %get3A_10 = vector.load %arg3[%get3A_8, %get3A_9] : memref<1x10240xf32, #tpu.memory_space<vmem>>, vector<1x10240xf32>
    %div3A = arith.divf %mul3A_7, %get3A_10 : vector<1x10240xf32>
    %iota3A = tpu.iota {dimensions = array<i32: 1>} : vector<1x10240xi32>
    %eq3A = arith.constant 9999 : i32
    %eq3A_11 = vector.broadcast %eq3A : i32 to vector<1x10240xi32>
    %eq3A_12 = arith.cmpi eq, %iota3A, %eq3A_11 : vector<1x10240xi32>
    %jit3A = arith.constant 0.000000e+00 : f32
    %jit3A_13 = arith.constant 1.000000e+00 : f32
    %broadcast_in_dim3A_14 = vector.broadcast %jit3A : f32 to vector<1x10240xf32>
    %broadcast_in_dim3A_15 = vector.broadcast %jit3A_13 : f32 to vector<1x10240xf32>
    %select_n3A = arith.select %eq3A_12, %broadcast_in_dim3A_14, %broadcast_in_dim3A_15 : vector<1x10240xi1>, vector<1x10240xf32>
    %get3A_16 = arith.constant 0 : index
    %get3A_17 = arith.constant 0 : index
    %get3A_18 = vector.load %arg1[%get3A_16, %get3A_17] : memref<1x10240xf32, #tpu.memory_space<vmem>>, vector<1x10240xf32>
    %mul3A_19 = arith.constant 1.000000e+00 : f32
    %mul3A_20 = vector.broadcast %mul3A_19 : f32 to vector<1x10240xf32>
    %mul3A_21 = arith.mulf %div3A, %mul3A_20 : vector<1x10240xf32>
    %add3A = arith.addf %broadcast_in_dim3A, %mul3A_21 : vector<1x10240xf32>
    %mul3A_22 = arith.mulf %add3A, %select_n3A : vector<1x10240xf32>
    %add3A_23 = arith.addf %get3A_18, %mul3A_22 : vector<1x10240xf32>
    %swap3A = arith.constant 0 : index
    %swap3A_24 = arith.constant 0 : index
    %swap3A_25 = vector.load %arg4[%swap3A, %swap3A_24] : memref<1x10240xf32, #tpu.memory_space<vmem>>, vector<1x10240xf32>
    tpu.vector_store %arg4[%swap3A, %swap3A_24], %add3A_23 {strides = array<i32>} : memref<1x10240xf32, #tpu.memory_space<vmem>>, vector<1x10240xf32>,
    return
  }
}

</mosaic_0001>

<sc_bundles>
// kernel: kernel.5.cloned.1.call-start
scs
__scs_entry_jumppad:
0x0: {  	(pc) =	sbr.rel $0x88, $3  }
0x1: {  	(tag) =	ssettag $0x0;
	lr =	simm.s32 $0x1  }
0x2: {  	[smem:$0x3F9C] =	sst lr;
	_ =	strace $0xD0000000  }
0x3: {  	_ = 	snop  }
0x4: {  	_ = 	snop  }
0x5: {  	_ = 	snop  }
0x6: {  	_ = 	snop  }
0x7: {  	_ = 	snop  }
__scs_overlays_trampoline_lowered:
0x8: {  	[smem:$0x3FAB] =	sst s0  }
0x9: {  	[smem:$0x3FAC] =	sst s1  }
0xa: {  	[smem:$0x3FAD] =	sst s2  }
0xb: {  	[smem:$0x3FAE] =	sst s3  }
0xc: {  	[smem:$0x3FAF] =	sst s4  }
0xd: {  	[smem:$0x3FB0] =	sst s5  }
0xe: {  	[smem:$0x3FB1] =	sst s6  }
0xf: {  	[smem:$0x3FB2] =	sst s7  }
0x10: {  	[smem:$0x3FB3] =	sst s8  }
0x11: {  	[smem:$0x3FB4] =	sst s9;
	s0 =	simm.s32 @!p0 $0x0  }
0x12: {  	s1 =	sld [smem:$0x3F9A];
	s0 =	simm.s32 @p0 $0x1  }
0x13: {  	[smem:$0x3FB5] =	sst s0;
	s0 =	simm.s32 @!p1 $0x0  }
0x14: {  	s2 =	sld [smem:$0x3F99];
	s0 =	simm.s32 @p1 $0x1  }
0x15: {  	[smem:$0x3FB6] =	sst s0;
	s0 =	simm.s32 @!p2 $0x0  }
0x16: {  	s3 =	sld [smem:$0x3FDB];
	s0 =	simm.s32 @p2 $0x1  }
0x17: {  	s4 =	simm.s32 $0x1BF5;
	[smem:$0x3FB8] =	sst s0  }
0x18: {  	s0 =	sld [smem:$0x3F9B];
	_ =	swait.ge [sflag:s4], $0x0  }
0x19: {  	s7 =	sld [smem:$0x3F9C]  }
0x1a: {  	s8 =	sadd.s32 $0xFFFFE003, lr  }
0x1b: {  	s9 =	sadd.s32 $0xFFFFFEF7, lr;
	s5 =	simm.s32 $0xFFFFFFFF;
	p2 =	slt.u32 s8, $0xFFFFF086  }
0x1c: {  	p1 =	slt.u32 s9, $0xF7A;
	s5 =	simm.s32 @!p2 $0x0  }
0x1d: {  	s5 =	simm.s32 @p1 $0x1;
	p0 =	seq.s32 s7, s2  }
0x1e: {  	s7 =	smul.u32 @!p0 $0xF7A, s2;
	p2 =	seq.s32 @!p0 s5, $0x0  }
0x1f: {  	s9 =	smul.u32 $0xF7A, s1;
	s8 =	simm.s32 @!p0 $0x1BF5;
	p2 =	por !p2, p0  }
0x20: {  	[sflag:s8] =	ssyncset.s32 @!p0 $0xFFFFF086;
	s6 =	sadd.s32 @!p0 s3, s7;
	s7 =	simm.s32 @!p0 $0x108  }
0x21: {  	s3 =	sadd.s32 s3, s9;
	s6 =	sadd.s32 @!p0 $0x88, s6;
	s7 =	simm.s32 @p2 $0x1082  }
0x22: {  	[simem:s7], [sflag:s8] =	dma.local @!p0 [hbm:s6], $0xF7A  }
0x23: {  	s9 =	sor.u32 $0xD0000000, s2;
	s6 =	simm.s32 $0x108;
	_ =	swait.ge @!p0 [sflag:s8], $0x0  }
0x24: {  	s3 =	sadd.s32 $0x88, s3;
	s6 =	simm.s32 @!p1 $0x1082;
	[sflag:s4] =	ssyncset.s32 $0xFFFFF086  }
0x25: {  	[simem:s6], [sflag:s4] =	dma.local [hbm:s3], $0xF7A  }
0x26: {  	[smem:$0x3F9C] =	sst s1;
	(tag) =	ssettag s2;
	_ =	strace s9  }
0x27: {  	s1 =	sld [smem:$0x3FAC]  }
0x28: {  	s2 =	sld [smem:$0x3FAD]  }
0x29: {  	s4 =	sld [smem:$0x3FAF]  }
0x2a: {  	p0 =	seq.s32 s5, $0x0;
	s5 =	sld [smem:$0x3FB0]  }
0x2b: {  	s6 =	sld [smem:$0x3FB1]  }
0x2c: {  	s7 =	sld [smem:$0x3FB2]  }
0x2d: {  	s3 =	simm.s32 $0x108;
	s8 =	sld [smem:$0x3FB3]  }
0x2e: {  	s3 =	simm.s32 @!p0 $0x1082;
	s9 =	sld [smem:$0x3FB4]  }
0x2f: {  	lr =	sadd.s32 s0, s3;
	s0 =	sld [smem:$0x3FAB]  }
0x30: {  	s3 =	sld [smem:$0x3FAE]  }
0x31: {  	[smem:$0x3FB7] =	sst s10  }
0x32: {  	s10 =	sld [smem:$0x3FB5];
	_ =	sdelay $0x3  }
0x33: {  	p0 =	seq.s32 s10, $0x1;
	s10 =	sld [smem:$0x3FB7];
	_ =	sdelay $0x3  }
0x34: {  	[smem:$0x3FB7] =	sst s10  }
0x35: {  	s10 =	sld [smem:$0x3FB6];
	_ =	sdelay $0x3  }
0x36: {  	p1 =	seq.s32 s10, $0x1;
	s10 =	sld [smem:$0x3FB7];
	_ =	sdelay $0x3  }
0x37: {  	[smem:$0x3FB7] =	sst s10  }
0x38: {  	s10 =	sld [smem:$0x3FB8]  }
0x39: {  	_ = 	snop;
	(pc) =	sbr.ind lr, $3  }
0x3a: {  	_ = 	snop  }
0x3b: {  	_ = 	snop  }
0x3c: {  	p2 =	seq.s32 s10, $0x1;
	s10 =	sld [smem:$0x3FB7]  }
0x3d: {  	_ =	shalt  }
0x3e: {  	_ =	shalt  }
0x3f: {  	_ =	shalt  }
0x40: {  	_ =	shalt  }
0x41: {  	_ =	shalt  }
0x42: {  	_ =	shalt  }
0x43: {  	_ =	shalt  }
0x44: {  	_ =	shalt  }
0x45: {  	_ =	shalt  }
0x46: {  	_ =	shalt  }
0x47: {  	_ =	shalt  }
0x48: {  	_ =	shalt  }
0x49: {  	_ =	shalt  }
0x4a: {  	_ =	shalt  }
0x4b: {  	_ =	shalt  }
0x4c: {  	_ =	shalt  }
0x4d: {  	_ =	shalt  }
0x4e: {  	_ =	shalt  }
0x4f: {  	_ =	shalt  }
0x50: {  	_ =	shalt  }
0x51: {  	_ =	shalt  }
0x52: {  	_ =	shalt  }
0x53: {  	_ =	shalt  }
0x54: {  	_ =	shalt  }
0x55: {  	_ =	shalt  }
0x56: {  	_ =	shalt  }
0x57: {  	_ =	shalt  }
0x58: {  	_ =	shalt  }
0x59: {  	_ =	shalt  }
0x5a: {  	_ =	shalt  }
0x5b: {  	_ =	shalt  }
0x5c: {  	_ =	shalt  }
0x5d: {  	_ =	shalt  }
0x5e: {  	_ =	shalt  }
0x5f: {  	_ =	shalt  }
0x60: {  	_ =	shalt  }
0x61: {  	_ =	shalt  }
0x62: {  	_ =	shalt  }
0x63: {  	_ =	shalt  }
0x64: {  	_ =	shalt  }
0x65: {  	_ =	shalt  }
0x66: {  	_ =	shalt  }
0x67: {  	_ =	shalt  }
0x68: {  	_ =	shalt  }
0x69: {  	_ =	shalt  }
0x6a: {  	_ =	shalt  }
0x6b: {  	_ =	shalt  }
0x6c: {  	_ =	shalt  }
0x6d: {  	_ =	shalt  }
0x6e: {  	_ =	shalt  }
0x6f: {  	_ =	shalt  }
0x70: {  	_ =	shalt  }
0x71: {  	_ =	shalt  }
0x72: {  	_ =	shalt  }
0x73: {  	_ =	shalt  }
0x74: {  	_ =	shalt  }
0x75: {  	_ =	shalt  }
0x76: {  	_ =	shalt  }
0x77: {  	_ =	shalt  }
0x78: {  	_ =	shalt  }
0x79: {  	_ =	shalt  }
0x7a: {  	_ =	shalt  }
0x7b: {  	_ =	shalt  }
0x7c: {  	_ =	shalt  }
0x7d: {  	_ =	shalt  }
0x7e: {  	_ =	shalt  }
0x7f: {  	_ =	shalt  }
0x80: {  	_ =	shalt  }
0x81: {  	_ =	shalt  }
0x82: {  	_ =	shalt  }
0x83: {  	_ =	shalt  }
0x84: {  	_ =	shalt  }
0x85: {  	_ =	shalt  }
0x86: {  	_ =	shalt  }
0x87: {  	_ =	shalt  }
.Lfunc_end0:
.L_simem_size_0:
called_computation_lowered:
.L_overlay_start_0:
0x88: {  	s2 =	sld [smem:$0x3FD9]  }
0x89: {  	s3 =	sld [smem:$0x3FFE];
	_ =	sdelay $0x1  }
0x8a: {  	s1 =	srdreg.scid  }
0x8b: {  	s0 =	sand.u32 $0x1, s1  }
0x8c: {  	s16 =	sshll.u32 s0, $0xA;
	s2 =	sadd.s32 s3, s2  }
0x8d: {  	s2 =	sadd.s32 s2, s16  }
0x8e: {  	[smem:$0x3FC3] =	sst s2  }
0x8f: {  	_ = 	snop  }
0x90: {  	(tm) =	ssettm $0x1  }
0x91: {  	s17 =	sld [smem:$0x3FFB];
	_ =	sdelay $0x3  }
0x92: {  	_ =	strace s17  }
0x93: {  	s2 =	sld [smem:$0x3FFC];
	_ =	sdelay $0x3  }
0x94: {  	_ =	strace s2  }
0x95: {  	s2 =	sld [smem:$0x3FFD];
	_ =	sdelay $0x3  }
0x96: {  	_ =	strace s2  }
0x97: {  	_ =	strace $0x8FFFFFFF  }
0x98: {  	s18 =	sld [smem:$0x3FDB];
	_ =	sdelay $0x1  }
0x99: {  	s19 =	simm.s32 $_scs_section_size  }
0x9a: {  	s4 =	simm.s32 $_size__tile_overlayer_lowered;
	s5 =	simm.s32 $_tile_overlayer_lowered  }
0x9b: {  	s22 =	simm.s32 $0x1BFF;
	s21 =	sshll.u32 s5, $0x1;
	s2 =	sadd.s32 s19, s18  }
0x9c: {  	s6 =	simm.s32 $0x0;
	s20 =	sshll.u32 s4, $0x1;
	s4 =	sadd.s32 s21, s2  }
0x9d: {  	[timem:s6], [sflag:s22] =	dma.local [hbm:s4], s20  }
0x9e: {  	_ =	swait.ge [sflag:s22], s20  }
0x9f: {  	s3 =	ssub.s32 $0x0, s20;
	[sflag:s22] =	ssyncset.done $0x0  }
0xa0: {  	[sflag:s22] =	ssyncadd.s32 s3;
	_ =	sdelay $0x1  }
0xa1: {  	s23 =	simm.s32 $0x1B8B  }
0xa2: {  	_ =	swait.ge [sflag:s23], $0x1  }
0xa3: {  	[sflag:s23] =	ssyncset.done $0x0  }
0xa4: {  	s25 =	simm.s32 $0x1B8E;
	s24 =	sld [smem:$0x3FFE];
	[sflag:s23] =	ssyncadd.s32 $0xFFFFFFFF  }
0xa5: {  	s26 =	simm.s32 $execute0_lowered;
	[smem:$0x3FD2] =	sst s25  }
0xa6: {  	s4 =	sshll.u32 s26, $0x1;
	_ =	strace $0x80000046;
	[dreg:$0x1] =	wrdreg $0xFFFFFFFF  }
0xa7: {  	s28 =	simm.s32 $_size_execute0_lowered;
	s2 =	sadd.s32 s2, s4;
	[dreg:$0x0] =	wrdreg $0x0  }
0xa8: {  	s4 =	sshll.u32 s28, $0x1;
	[dreg:$0x2] =	wrdreg s2  }
0xa9: {  	[dreg:$0x3] =	wrdreg s4  }
0xaa: {  	[dreg:$0x4] =	wrdreg $0xC0  }
0xab: {  	_ =	task [dreg:s6], $0x5FFFF  }
0xac: {  	[dreg:$0x1] =	wrdreg $0xFFFFFFFF  }
0xad: {  	[dreg:$0x0] =	wrdreg $0x60  }
0xae: {  	[dreg:$0x2] =	wrdreg s24  }
0xaf: {  	[dreg:$0x3] =	wrdreg $0x9  }
0xb0: {  	_ =	task.clear_ibuf [dreg:s6], $0x4FFFF;
	_ =	strace $0x90000046  }
0xb1: {  	s29 =	simm.s32 $0x9;
	_ =	strace $0x80000048  }
0xb2: {  	_ =	swait.ge [sflag:s29], $0x1  }
0xb3: {  	[sflag:s29] =	ssyncadd.s32 $0xFFFFFFFF  }
0xb4: {  	_ =	strace $0x90000048  }
0xb5: {  	_ =	sfence  }
0xb6: {  	s30 =	sld [smem:$0x0];
	_ =	sdelay $0x2  }
0xb7: {  	s31 =	sshll.u32 s1, $0xD;
	s1 =	sshrl.u32 s1, $0x2  }
0xb8: {  	s3 =	sand.u32 $0x4000, s31;
	s1 =	sadd.s32 s1, s30  }
0xb9: {  	s0 =	sor.u32 s3, s0;
	s1 =	sshll.u32 s1, $0x11  }
0xba: {  	s0 =	sor.u32 s1, s0  }
0xbb: {  	s0 =	sadd.s32 $0x8F2B, s0  }
0xbc: {  	[sflag:s0] =	ssyncadd.remote.s32 $0x1  }
0xbd: {  	_ =	sfence.sel $0xFFFF  }
0xbe: {  	[dreg:$0x0] =	wrdreg $0xFFFFFFFF;
	(pc) =	sbr.abs _section_cstart, $3  }
0xbf: {  	[dreg:$0x1] =	wrdreg $0xFFFFFFFF  }
0xc0: {  	_ =	task.clear_ibuf [dreg:s6], $0x2FFFF;
	_ =	strace $0x9FFFFFFF  }
0xc1: {  	(tm) =	ssettm $0x7FFFFFFF  }
tec
execute0_lowered:
.L_overlay_start_1:
0x0: {  	(tag) =	ssettag $0x1  }
0x1: {  	s5 =	rddreg [dreg:$0x0]  }
0x2: {  	s0 =	rddreg [dreg:$0x1]  }
0x3: {  	s3 =	srdreg.scid;
	s1 =	stileid.u32  }
0x4: {  	s2 =	simm.s32 $0x0;
	s11 =	simm.s32 $0x7700;
	s12 =	simm.s32 $0xC580  }
0x5: {  	s13 =	simm.s32 $0x11400;
	s14 =	simm.s32 $0x1;
	s15 =	simm.s32 $0x2  }
0x6: {  	s16 =	simm.s32 $0x3;
	s17 =	simm.s32 $0x4;
	s18 =	simm.s32 $0x5  }
0x7: {  	s19 =	simm.s32 $0x4F00;
	s20 =	simm.s32 $0x80;
	s21 =	simm.s32 $0x400  }
0x8: {  	s22 =	simm.s32 $0x6;
	s23 =	simm.s32 $0x0;
	s6 =	sand.u32 $0x1, s3  }
0x9: {  	s28 =	sshll.u32 s1, $0x1;
	[smem:$0x7FF] =	sst s2;
	s29 =	sshrl.u32 s1, $0x2  }
0xa: {  	s3 =	sadd.s32 $0xC00, s5;
	s4 =	sor.u32 s6, s28;
	s7 =	smul.u32 $0x14000, s29  }
0xb: {  	_ =	strace $0x80000047;
	s8 =	sshll.u32 s4, $0x7;
	s9 =	smul.u32 $0x9C4, s4  }
0xc: {  	s6 =	ssub.s32 $0x2, s6;
	s4 =	sadd.s32 $0x600, s5;
	s8 =	sand.u32 $0x380, s8  }
0xd: {  	s31 =	sshrl.u32 s6, $0x1;
	s7 =	sor.u32 s7, s8;
	s30 =	sadd.s32 s9, s5  }
0xe: {  	s9 =	ssub.s32 s6, s31;
	s7 =	sshrl.u32 s7, $0x3;
	s6 =	sadd.s32 $0x9D800, s30  }
0xf: {  	s9 =	smax.u32 s9, $0x1;
	s10 =	sadd.s32 s7, s5;
	s5 =	sadd.s32 $0xB1200, s30  }
0x10: {  	v0 =	vimm.f32 $0.0e+00;
	s7 =	sadd.s32 $0x1200, s30;
	s8 =	sadd.s32 $0x14C00, s10;
	s10 =	simm.s32 $0x2780  }
.LBB2_1:
0x11: {  	[tilespmem:s2], [sflag:$0x1] =	stream.linear.gather [hbm4b:s3+s2], $0x2780, $0x38;
	[tilespmem:$0x16280] =	vst v63  }
0x12: {  	_ = 	snop  }
0x13: {  	[tilespmem:s10], [sflag:$0x2] =	stream.linear.gather [hbm4b:s4+s2], $0x2780, $0x38;
	[tilespmem:$0x16280] =	vst v63  }
0x14: {  	_ = 	snop  }
0x15: {  	[tilespmem:s11], [sflag:$0x3] =	stream.linear.gather [hbm4b:s5+s2], $0x4E20, $0x38;
	[tilespmem:$0x16280] =	vst v63  }
0x16: {  	_ = 	snop  }
0x17: {  	[tilespmem:s12], [sflag:$0x4] =	stream.linear.gather [hbm4b:s6+s2], $0x4E20, $0x38;
	[tilespmem:$0x16280] =	vst v63  }
0x18: {  	s24 =	simm.s32 $0x4F20  }
0x19: {  	[tilespmem:s13], [sflag:$0x5] =	stream.linear.gather [hbm4b:s7+s2], $0x4E20, $0x38;
	[tilespmem:$0x16280] =	vst v63  }
0x1a: {  	[tilespmem:s24+$0xFFFFFFE0] =	vst v0  }
0x1b: {  	[tilespmem:s24+$0x20] =	vst v0  }
0x1c: {  	[tilespmem:s24+$0x10] =	vst v0  }
0x1d: {  	s25 =	simm.s32 $0x0;
	[tilespmem:s24+$0x0] =	vst v0  }
.LBB2_2:
0x1e: {  	s25 =	sadd.s32 $0x5, s25  }
0x1f: {  	[tilespmem:s24+$0xFFFFFFF0] =	vst v0;
	s24 =	sadd.s32 $0x50, s24;
	p0 =	slt.u32 s25, $0x27B  }
.Ltmp0:
0x20: {  	[tilespmem:s24+$0xFFFFFFE0] =	vst v0;
	(pc) =	sbr.rel @p0 .LBB2_2-.Ltmp0, $4  }
0x21: {  	_ = 	snop  }
0x22: {  	[tilespmem:s24+$0x20] =	vst v0  }
0x23: {  	[tilespmem:s24+$0x10] =	vst v0  }
0x24: {  	[tilespmem:s24+$0x0] =	vst v0  }
0x25: {  	[tilespmem:s24+$0xFFFFFFF0] =	vst v0  }
0x26: {  	_ =	swait.ge [sflag:s14], $0x2780  }
0x27: {  	[sflag:s14] =	ssyncset.done $0x0  }
0x28: {  	[sflag:s14] =	ssyncadd.s32 $0xFFFFD880  }
0x29: {  	_ =	swait.ge [sflag:s15], $0x2780  }
0x2a: {  	[sflag:s15] =	ssyncset.done $0x0  }
0x2b: {  	[sflag:s15] =	ssyncadd.s32 $0xFFFFD880  }
0x2c: {  	_ =	swait.ge [sflag:s16], $0x4E20  }
0x2d: {  	[sflag:s16] =	ssyncset.done $0x0  }
0x2e: {  	[sflag:s16] =	ssyncadd.s32 $0xFFFFB1E0  }
0x2f: {  	_ =	swait.ge [sflag:s17], $0x4E20  }
0x30: {  	[sflag:s17] =	ssyncset.done $0x0  }
0x31: {  	[sflag:s17] =	ssyncadd.s32 $0xFFFFB1E0  }
0x32: {  	_ =	swait.ge [sflag:s18], $0x4E20  }
0x33: {  	[sflag:s18] =	ssyncset.done $0x0  }
0x34: {  	s25 =	simm.s32 $0x7720;
	[sflag:s18] =	ssyncadd.s32 $0xFFFFB1E0  }
0x35: {  	s24 =	simm.s32 $0xC5A0;
	v10 =	vld [tilespmem:s25+$0x20]  }
0x36: {  	v11 =	vld [tilespmem:s24+$0x20]  }
0x37: {  	v3 =	vld [tilespmem:s24+$0xFFFFFFE0]  }
0x38: {  	v2 =	vld [tilespmem:s25+$0xFFFFFFF0]  }
0x39: {  	v1 =	vld [tilespmem:s24+$0xFFFFFFF0]  }
0x3a: {  	v4 =	vld [tilespmem:s25+$0x0]  }
0x3b: {  	v5 =	vld [tilespmem:s24+$0x0]  }
0x3c: {  	v7 =	vld [tilespmem:s25+$0x10]  }
0x3d: {  	v8 =	vld [tilespmem:s24+$0x10]  }
0x3e: {  	v6 =	vld [tilespmem:s25+$0xFFFFFFE0];
	s25 =	simm.s32 $0x11420  }
0x3f: {  	v15 =	vld [tilespmem:s25+$0x20]  }
0x40: {  	v22 =	vld [tilespmem:s25+$0x10]  }
0x41: {  	v9 =	vld.idx.msk [tilespmem:v10+s10+$0x0], $0xffff  }
0x42: {  	v12 =	vld.idx.msk [tilespmem:v11+s10+$0x0], $0xffff  }
0x43: {  	v13 =	vld.idx.msk [tilespmem:v3+s10+$0x0], $0xffff  }
0x44: {  	v14 =	vld.idx.msk [tilespmem:v10+s2+$0x0], $0xffff  }
0x45: {  	v16 =	vld.idx.msk [tilespmem:v2+s10+$0x0], $0xffff  }
0x46: {  	v17 =	vld.idx.msk [tilespmem:v1+s10+$0x0], $0xffff  }
0x47: {  	v18 =	vld.idx.msk [tilespmem:v4+s10+$0x0], $0xffff  }
0x48: {  	v19 =	vld.idx.msk [tilespmem:v5+s10+$0x0], $0xffff  }
0x49: {  	(erf) = vrcp.f32 v9;
	v9 =	vld.idx.msk [tilespmem:v6+s10+$0x0], $0xffff  }
0x4a: {  	(erf) = vrcp.f32 v12;
	v12 =	vld.idx.msk [tilespmem:v7+s10+$0x0], $0xffff  }
0x4b: {  	(erf) = vrcp.f32 v13;
	v13 =	vld.idx.msk [tilespmem:v8+s10+$0x0], $0xffff  }
0x4c: {  	(erf) = vrcp.f32 v16;
	v16 =	vld.idx.msk [tilespmem:v6+s2+$0x0], $0xffff  }
0x4d: {  	(erf) = vrcp.f32 v17;
	v17 =	vld.idx.msk [tilespmem:v2+s2+$0x0], $0xffff  }
0x4e: {  	(erf) = vrcp.f32 v18;
	v18 =	vld.idx.msk [tilespmem:v4+s2+$0x0], $0xffff  }
0x4f: {  	(erf) = vrcp.f32 v19;
	v19 =	vld.idx.msk [tilespmem:v7+s2+$0x0], $0xffff  }
0x50: {  	(erf) = vrcp.f32 v9;
	v9 =	vld [tilespmem:s25+$0xFFFFFFE0]  }
0x51: {  	v14 =	vmul.f32 v14, v15;
	(erf) = vrcp.f32 v12;
	v12 =	vld [tilespmem:s25+$0xFFFFFFF0]  }
0x52: {  	vm0 =	veq.s32 v10, v11;
	v15 =	vpop (erf);
	(erf) = vrcp.f32 v13;
	v13 =	vld [tilespmem:s25+$0x0]  }
0x53: {  	v14 =	vsel vm0, $0x0, v14;
	v20 =	vpop (erf)  }
0x54: {  	vm14 =	veq.s32 v2, v1;
	v21 =	vsub.f32 $0.0e+00, v14;
	v23 =	vpop (erf)  }
0x55: {  	vm1 =	veq.s32 v4, v5;
	vm2 =	veq.s32 v6, v3;
	v9 =	vmul.f32 v16, v9;
	v24 =	vpop (erf)  }
0x56: {  	vm15 =	veq.s32 v7, v8;
	v15 =	vmul.f32 v21, v15;
	v12 =	vmul.f32 v17, v12;
	v25 =	vpop (erf)  }
0x57: {  	v19 =	vmul.f32 v19, v22;
	v9 =	vsel vm2, $0x0, v9;
	v13 =	vmul.f32 v18, v13;
	v16 =	vpop (erf)  }
0x58: {  	v14 =	vmul.f32 v20, v14;
	v12 =	vsel vm14, $0x0, v12;
	v17 =	vpop (erf);
	v21 =	vsub.f32 $0.0e+00, v9  }
0x59: {  	v9 =	vmul.f32 v23, v9;
	v22 =	vpop (erf);
	v20 =	vsel vm1, $0x0, v13;
	v13 =	vsub.f32 $0.0e+00, v12  }
0x5a: {  	[tilespmem:v10+s19+$0x0] =	vst.idx.add.f32.msk $0xffff, v15;
	v18 =	vpop (erf);
	v15 =	vmul.f32 v21, v22;
	v22 =	vsub.f32 $0.0e+00, v20;
	v21 =	vsel vm15, $0x0, v19  }
0x5b: {  	s26 =	simm.s32 $0x0;
	s28 =	simm.s32 $0x7770;
	[tilespmem:v11+s19+$0x0] =	vst.idx.add.f32.msk $0xffff, v14;
	v11 =	vmul.f32 v25, v12;
	v19 =	vpop (erf);
	v14 =	vmul.f32 v13, v24;
	v23 =	vsub.f32 $0.0e+00, v21  }
.LBB2_4:
0x5c: {  	v24 =	vld [tilespmem:s28+$0x20];
	v22 =	vmul.f32 v22, v16;
	v25 =	vmul.f32 v17, v20;
	s24 =	sadd.s32 $0x50, s24;
	v13 =	vmovc v7;
	v10 =	vmov v8  }
0x5d: {  	s26 =	sadd.s32 $0x5, s26;
	v12 =	vmul.f32 v19, v21;
	v16 =	vld [tilespmem:s24+$0x20];
	v23 =	vmul.f32 v23, v18  }
0x5e: {  	p0 =	slt.u32 s26, $0x4DD;
	v18 =	vld [tilespmem:s24+$0xFFFFFFE0]  }
0x5f: {  	v19 =	vld [tilespmem:s28+$0xFFFFFFF0]  }
0x60: {  	v20 =	vld [tilespmem:s24+$0xFFFFFFF0]  }
0x61: {  	v21 =	vld [tilespmem:s28+$0x0]  }
0x62: {  	v26 =	vld [tilespmem:s24+$0x0]  }
0x63: {  	v7 =	vld [tilespmem:s28+$0x10]  }
0x64: {  	v17 =	vld.idx.msk [tilespmem:v24+s10+$0x0], $0xffff  }
0x65: {  	vm1 =	veq.s32 v19, v20;
	v27 =	vld.idx.msk [tilespmem:v16+s10+$0x0], $0xffff  }
0x66: {  	v8 =	vld [tilespmem:s24+$0x10]  }
0x67: {  	v28 =	vld [tilespmem:s28+$0xFFFFFFE0];
	vm0 =	veq.s32 v21, v26  }
0x68: {  	v29 =	vld.idx.msk [tilespmem:v18+s10+$0x0], $0xffff  }
0x69: {  	s25 =	sadd.s32 $0x50, s25;
	v30 =	vld.idx.msk [tilespmem:v24+s2+$0x0], $0xffff  }
0x6a: {  	v31 =	vld [tilespmem:s25+$0x20];
	(erf) = vrcp.f32 v17  }
0x6b: {  	v17 =	vld.idx.msk [tilespmem:v19+s10+$0x0], $0xffff;
	vm2 =	veq.s32 v7, v8;
	(erf) = vrcp.f32 v27  }
0x6c: {  	vm3 =	veq.s32 v28, v18;
	v27 =	vld.idx.msk [tilespmem:v20+s10+$0x0], $0xffff  }
0x6d: {  	v32 =	vld.idx.msk [tilespmem:v21+s10+$0x0], $0xffff  }
0x6e: {  	v33 =	vld.idx.msk [tilespmem:v26+s10+$0x0], $0xffff;
	(erf) = vrcp.f32 v29  }
0x6f: {  	v29 =	vld.idx.msk [tilespmem:v28+s10+$0x0], $0xffff;
	v30 =	vmul.f32 v30, v31  }
0x70: {  	vm4 =	veq.s32 v24, v16;
	v31 =	vld.idx.msk [tilespmem:v7+s10+$0x0], $0xffff  }
0x71: {  	v34 =	vld.idx.msk [tilespmem:v8+s10+$0x0], $0xffff;
	v30 =	vsel vm4, $0x0, v30;
	(erf) = vrcp.f32 v17  }
0x72: {  	v17 =	vld.idx.msk [tilespmem:v28+s2+$0x0], $0xffff;
	v35 =	vsub.f32 $0.0e+00, v30;
	(erf) = vrcp.f32 v27  }
0x73: {  	v27 =	vld.idx.msk [tilespmem:v19+s2+$0x0], $0xffff;
	(erf) = vrcp.f32 v32;
	v32 =	vpop (erf)  }
0x74: {  	v36 =	vld.idx.msk [tilespmem:v21+s2+$0x0], $0xffff;
	v32 =	vmul.f32 v35, v32;
	(erf) = vrcp.f32 v33;
	v33 =	vpop (erf)  }
0x75: {  	v35 =	vld.idx.msk [tilespmem:v7+s2+$0x0], $0xffff;
	v30 =	vmul.f32 v33, v30;
	(erf) = vrcp.f32 v29  }
0x76: {  	[tilespmem:v24+s19+$0x0] =	vst.idx.add.f32.msk $0xffff, v32;
	(erf) = vrcp.f32 v31  }
0x77: {  	[tilespmem:v16+s19+$0x0] =	vst.idx.add.f32.msk $0xffff, v30;
	v24 =	vpop (erf);
	(erf) = vrcp.f32 v34  }
0x78: {  	v29 =	vld [tilespmem:s25+$0xFFFFFFE0]  }
0x79: {  	v30 =	vld [tilespmem:s25+$0xFFFFFFF0]  }
0x7a: {  	v31 =	vld [tilespmem:s25+$0x0];
	v32 =	vpop (erf)  }
0x7b: {  	v33 =	vld [tilespmem:s25+$0x10];
	v34 =	vpop (erf)  }
0x7c: {  	v16 =	vpop (erf);
	[tilespmem:v6+s19+$0x0] =	vst.idx.add.f32.msk $0xffff, v15;
	v6 =	vmov v28  }
0x7d: {  	v15 =	vmul.f32 v17, v29;
	v17 =	vpop (erf);
	[tilespmem:v3+s19+$0x0] =	vst.idx.add.f32.msk $0xffff, v9;
	v3 =	vmov v18  }
0x7e: {  	v9 =	vmul.f32 v27, v30;
	v27 =	vpop (erf);
	[tilespmem:v2+s19+$0x0] =	vst.idx.add.f32.msk $0xffff, v14;
	v2 =	vmov v19  }
.Ltmp1:
0x7f: {  	v14 =	vsel vm3, $0x0, v15;
	v15 =	vmul.f32 v36, v31;
	v18 =	vpop (erf);
	[tilespmem:v1+s19+$0x0] =	vst.idx.add.f32.msk $0xffff, v11;
	v1 =	vmov v20;
	(pc) =	sbr.rel @p0 .LBB2_4-.Ltmp1, $4  }
0x80: {  	v11 =	vsub.f32 $0.0e+00, v14;
	v28 =	vsel vm1, $0x0, v9;
	v29 =	vmul.f32 v35, v33;
	v19 =	vpop (erf);
	[tilespmem:v4+s19+$0x0] =	vst.idx.add.f32.msk $0xffff, v22  }
0x81: {  	v9 =	vmul.f32 v24, v14;
	v4 =	vmovc v21;
	v14 =	vsub.f32 $0.0e+00, v28;
	v20 =	vsel vm0, $0x0, v15;
	[tilespmem:v5+s19+$0x0] =	vst.idx.add.f32.msk $0xffff, v25  }
0x82: {  	v5 =	vmovc v26;
	v15 =	vmul.f32 v11, v27;
	v22 =	vsub.f32 $0.0e+00, v20;
	v21 =	vsel vm2, $0x0, v29;
	[tilespmem:v13+s19+$0x0] =	vst.idx.add.f32.msk $0xffff, v23  }
0x83: {  	s28 =	sadd.s32 $0x50, s28;
	v11 =	vmul.f32 v34, v28;
	v14 =	vmul.f32 v14, v32;
	v23 =	vsub.f32 $0.0e+00, v21;
	[tilespmem:v10+s19+$0x0] =	vst.idx.add.f32.msk $0xffff, v12  }
0x84: {  	_ =	sdelay $0x3  }
0x85: {  	[tilespmem:v6+s19+$0x0] =	vst.idx.add.f32.msk $0xffff, v15  }
0x86: {  	[tilespmem:v3+s19+$0x0] =	vst.idx.add.f32.msk $0xffff, v9  }
0x87: {  	v3 =	vmul.f32 v22, v16;
	[tilespmem:v2+s19+$0x0] =	vst.idx.add.f32.msk $0xffff, v14  }
0x88: {  	v2 =	vmul.f32 v17, v20;
	[tilespmem:v1+s19+$0x0] =	vst.idx.add.f32.msk $0xffff, v11  }
0x89: {  	v1 =	vmul.f32 v23, v18;
	[tilespmem:v4+s19+$0x0] =	vst.idx.add.f32.msk $0xffff, v3  }
0x8a: {  	s23 =	sadd.s32 $0x1, s23;
	v3 =	vmul.f32 v19, v21;
	[tilespmem:v5+s19+$0x0] =	vst.idx.add.f32.msk $0xffff, v2  }
0x8b: {  	p0 =	sne.s32 s23, s9;
	[tilespmem:v7+s19+$0x0] =	vst.idx.add.f32.msk $0xffff, v1  }
.Ltmp2:
0x8c: {  	[tilespmem:v8+s19+$0x0] =	vst.idx.add.f32.msk $0xffff, v3;
	(pc) =	sbr.rel @p0 .LBB2_1-.Ltmp2, $4  }
0x8d: {  	[hbm4b:s8+s20] =	stream.strided.scatter [tilespmem:s19], [sflag:$0x6], $0x2800, s21, s20, $0x38;
	[tilespmem:$0x16280] =	vst v63  }
0x8e: {  	_ =	swait.ge [sflag:s22], $0x2800  }
0x8f: {  	[sflag:s22] =	ssyncset.done $0x0  }
0x90: {  	[sflag:s22] =	ssyncadd.s32 $0xFFFFD800  }
0x91: {  	_ =	sfence.sel $0x180000  }
0x92: {  	[bflag:$0x0] =	sbarrier.arrive $0xFFFF  }
0x93: {  	p0 =	sne.s32 s1, $0x0;
	_ =	strace $0x90000047  }
0x94: {  	s0 =	sadd.s32 @!p0 $0x100000, s0;
	[bflag:$0x2] =	sbarrier.arrive $0xFFFF  }
0x95: {  	[sflag:s0] =	ssyncadd.tile.s32 @!p0 $0x1;
	_ =	shalt  }
.Lfunc_end2:
_tile_overlayer_lowered:
.L_overlay_start_2:
0x96: {  	(tag) =	ssettag $0x2  }
0x97: {  	s0 =	rddreg [dreg:$0x0];
	s2 =	stileid.u32  }
0x98: {  	s1 =	rddreg [dreg:$0x1];
	p0 =	sne.s32 s2, $0x0  }
0x99: {  	s3 =	rddreg [dreg:$0x2];
	[bflag:$0x3] =	sbarrier.arrive $0xFFFF;
	s2 =	simm.s32 @!p0 $0x1C06  }
0x9a: {  	[timem:s3], [sflag:s2] =	dma.local @!p0 [hbm:s0], s1  }
0x9b: {  	s0 =	simm.s32 @!p0 $0x6  }
0x9c: {  	_ =	swait.ge @!p0 [sflag:s0], s1  }
0x9d: {  	s1 =	ssub.s32 @!p0 $0x0, s1;
	[sflag:s0] =	ssyncset.done @!p0 $0x0  }
0x9e: {  	[sflag:s0] =	ssyncadd.s32 @!p0 s1  }
0x9f: {  	[bflag:$0x3] =	sbarrier.arrive $0xFFFF  }
0xa0: {  	_ =	shalt  }

</sc_bundles>
